<compile_context>
chip_gen: v7x
topology: tpu7x:2x2x1
jax: 0.10.2.dev20260603
libtpu: 0.0.44.dev20260713+nightly
codegen_flags: <defaults>
</compile_context>

<pallas_src>
import functools

import jax
import jax.numpy as jnp
from jax import lax
from jax.experimental import pallas as pl
from jax.experimental.pallas import tpu as pltpu
from jax.experimental.pallas import tpu_sc as plsc

N = 100000
D = 128
NUM_SEG = 1024
BLK = 1024
NB = 98
NPAD = NB * BLK
NW = 32
CHUNK = NPAD // NW
GRP = CHUNK // 16
SCHUNK = 112
NSC = CHUNK // SCHUNK

NEG_INF = float("-inf")


def _gate_max_kernel(x_ref, wcol_ref, b_ref, brow_ref, gate3_ref, segmax_ref):
  i = pl.program_id(0)
  xb = x_ref[...]
  gate = jnp.dot(xb, wcol_ref[...], preferred_element_type=jnp.float32)
  gate = gate + b_ref[0, 0]
  gate_row = gate.reshape(1, BLK)
  gate3_ref[0] = gate_row

  seg = jax.lax.broadcasted_iota(jnp.int32, (NUM_SEG, BLK), 0)
  mask = brow_ref[0] == seg
  vals = jnp.where(mask, gate_row, NEG_INF)
  rowmax = jnp.max(vals, axis=1, keepdims=True)

  @pl.when(i == 0)
  def _init():
    segmax_ref[...] = jnp.full((NUM_SEG, 1), NEG_INF, jnp.float32)

  segmax_ref[...] = jnp.maximum(segmax_ref[...], rowmax)


def _sc_exp_segsum(gate_hbm, idx_hbm, segmax_hbm, zeros_hbm, e_hbm, parts_hbm,
                   gate_v, idx_v, e_v, rows_v, segmax_v, table_sh):
  cid = lax.axis_index("c")
  sid = lax.axis_index("s")
  wid = sid * 2 + cid
  base = wid * CHUNK

  pltpu.sync_copy(gate_hbm.at[pl.ds(base, CHUNK)], gate_v)
  pltpu.sync_copy(idx_hbm.at[pl.ds(base, CHUNK)], idx_v)
  pltpu.sync_copy(segmax_hbm, segmax_v)

  @pl.when(sid == 0)
  def _init_table():
    pltpu.sync_copy(zeros_hbm, table_sh)

  plsc.subcore_barrier()

  lane0 = jnp.zeros((16,), jnp.int32)
  ri0 = jax.lax.broadcasted_iota(jnp.int32, (16,), 0)

  def body(g, carry):
    off = g * 16
    idxv = idx_v[pl.ds(off, 16)]
    gv = gate_v[pl.ds(off, 16)]
    mx = plsc.load_gather(segmax_v, [idxv])
    e = jnp.exp(gv - mx)
    e_v[pl.ds(off, 16)] = e
    plsc.store_scatter(rows_v, [ri0 + off, lane0], e)
    return carry

  lax.fori_loop(0, GRP, body, 0)

  def sbody(c, carry):
    soff = c * SCHUNK
    pltpu.sync_copy(rows_v.at[pl.ds(soff, SCHUNK)],
                    table_sh.at[idx_v.at[pl.ds(soff, SCHUNK)]], add=True)
    return carry

  lax.fori_loop(0, NSC, sbody, 0)

  pltpu.sync_copy(e_v, e_hbm.at[pl.ds(base, CHUNK)])

  plsc.subcore_barrier()

  @pl.when(sid == 0)
  def _flush():
    pltpu.sync_copy(table_sh, parts_hbm.at[cid])


def _attn_out_kernel(x_ref, e3_ref, brow_ref, segsum_ref, attn_ref, out_ref):
  i = pl.program_id(0)
  seg = jax.lax.broadcasted_iota(jnp.int32, (NUM_SEG, BLK), 0)
  mask = brow_ref[0] == seg
  ssrow = jnp.sum(jnp.where(mask, segsum_ref[...], 0.0), axis=0,
                  keepdims=True)
  a_row = e3_ref[0] / (ssrow + 1e-16)
  a_col = a_row.reshape(BLK, 1)
  attn_ref[...] = a_col

  valid = (jax.lax.broadcasted_iota(jnp.int32, (BLK, 1), 0) + i * BLK) < N
  w = jnp.where(valid, a_col * jnp.maximum(x_ref[...], 0.0), 0.0)

  contrib = jnp.dot(mask.astype(jnp.bfloat16), w.astype(jnp.bfloat16),
                    preferred_element_type=jnp.float32)

  @pl.when(i == 0)
  def _init():
    out_ref[...] = jnp.zeros((NUM_SEG, D), jnp.float32)

  out_ref[...] = out_ref[...] + contrib


@jax.jit
def kernel(x, W, b, batch):
  bi = batch.astype(jnp.int32)
  bip = jnp.pad(bi, (0, NPAD - N), constant_values=NUM_SEG)
  brow = bip.reshape(NB, 1, BLK)
  wcol = W.reshape(1, D).T
  b2 = b.reshape(1, 1)

  gate3, segmax = pl.pallas_call(
      _gate_max_kernel,
      grid=(NB,),
      in_specs=[
          pl.BlockSpec((BLK, D), lambda i: (i, 0)),
          pl.BlockSpec((D, 1), lambda i: (0, 0)),
          pl.BlockSpec((1, 1), lambda i: (0, 0)),
          pl.BlockSpec((1, 1, BLK), lambda i: (i, 0, 0)),
      ],
      out_specs=[
          pl.BlockSpec((1, 1, BLK), lambda i: (i, 0, 0)),
          pl.BlockSpec((NUM_SEG, 1), lambda i: (0, 0)),
      ],
      out_shape=[
          jax.ShapeDtypeStruct((NB, 1, BLK), jnp.float32),
          jax.ShapeDtypeStruct((NUM_SEG, 1), jnp.float32),
      ],
  )(x, wcol, b2, brow)

  segmax_t = jnp.concatenate(
      [segmax[:, 0], jnp.zeros((1,), jnp.float32)])
  zeros_t = jnp.zeros((NUM_SEG + 1, 16), jnp.float32)

  sc_fn = functools.partial(
      pl.kernel,
      mesh=plsc.VectorSubcoreMesh(core_axis_name="c", subcore_axis_name="s"),
      compiler_params=pltpu.CompilerParams(
          needs_layout_passes=False, use_tc_tiling_on_sc=False),
      out_type=[
          jax.ShapeDtypeStruct((NPAD,), jnp.float32),
          jax.ShapeDtypeStruct((2, NUM_SEG + 1, 16), jnp.float32),
      ],
      scratch_types=[
          pltpu.VMEM((CHUNK,), jnp.float32),
          pltpu.VMEM((CHUNK,), jnp.int32),
          pltpu.VMEM((CHUNK,), jnp.float32),
          pltpu.VMEM((CHUNK, 16), jnp.float32),
          pltpu.VMEM((NUM_SEG + 1,), jnp.float32),
          pltpu.VMEM_SHARED((NUM_SEG + 1, 16), jnp.float32),
      ],
  )(_sc_exp_segsum)
  g1d, parts = sc_fn(gate3.reshape(NPAD), bip, segmax_t, zeros_t)

  segsum = (parts[0, :NUM_SEG, 0] + parts[1, :NUM_SEG, 0]).reshape(NUM_SEG, 1)
  e3 = g1d.reshape(NB, 1, BLK)

  attn, out = pl.pallas_call(
      _attn_out_kernel,
      grid=(NB,),
      in_specs=[
          pl.BlockSpec((BLK, D), lambda i: (i, 0)),
          pl.BlockSpec((1, 1, BLK), lambda i: (i, 0, 0)),
          pl.BlockSpec((1, 1, BLK), lambda i: (i, 0, 0)),
          pl.BlockSpec((NUM_SEG, 1), lambda i: (0, 0)),
      ],
      out_specs=[
          pl.BlockSpec((BLK, 1), lambda i: (i, 0)),
          pl.BlockSpec((NUM_SEG, D), lambda i: (0, 0)),
      ],
      out_shape=[
          jax.ShapeDtypeStruct((N, 1), jnp.float32),
          jax.ShapeDtypeStruct((NUM_SEG, D), jnp.float32),
      ],
  )(x, e3, brow, segsum)

  return out, attn

# --- scband reference (transcript-rebuilt; emitter-appended) ---
"""Pipeline reference for scband-attention-46840913330459 (READ-ONLY COPY).

The authoritative reference and input builder live on the scoring server;
editing this copy changes nothing except your own understanding.
"""

import jax, jax.numpy as jnp
import numpy as np

N = 100000
D = 128
NUM_SEG = 1024

def setup_inputs(seed: int = 0) -> dict:
    key = jax.random.key(seed)
    k1, k2, k3 = jax.random.split(key, 3)
    x = jax.random.normal(k1, (N, D), dtype=jnp.float32)
    # gate_nn: Linear(D, 1) params
    W = jax.random.normal(k2, (1, D), dtype=jnp.float32) * (1.0 / np.sqrt(D))
    b = jnp.zeros((1,), dtype=jnp.float32)
    batch = jnp.sort(jax.random.randint(k3, (N,), 0, NUM_SEG, dtype=jnp.int64))
    return {"x": x, "W": W, "b": b, "batch": batch}

def reference(x, W, b, batch):
    size = NUM_SEG
    # gate = self.gate_nn(x)
    gate = x @ W.T + b  # [N, 1]
    # x = ReLU(x)
    xr = jax.nn.relu(x)
    # segment softmax (torch_geometric style): exp(g - seg_max) / (seg_sum + 1e-16)
    seg_max = jax.ops.segment_max(gate, batch, num_segments=size)
    g = jnp.exp(gate - seg_max[batch])
    seg_sum = jax.ops.segment_sum(g, batch, num_segments=size)
    attention = g / (seg_sum[batch] + 1e-16)
    # scatter_add(attention * x, batch, dim=0, dim_size=size)
    out = jax.ops.segment_sum(attention * xr, batch, num_segments=size)
    return (out, attention)

if __name__ == "__main__":
    import jax
    _d = setup_inputs()
    print(jax.jit(kernel)(*tuple(_d.values())))

</pallas_src>

<mosaic_0001>
#map = affine_map<(d0, d1) -> (0)>
#map1 = affine_map<(d0, d1) -> (0, 0)>
#map2 = affine_map<(d0, d1) -> (0, 0, 0)>
module attributes {stable_mosaic.version = 14 : i64} {
  func.func @_sc_exp_segsum(%arg0: i32, %arg1: i32, %arg2: memref<100352xf32, #tpu.memory_space<hbm>>, %arg3: memref<100352xi32, #tpu.memory_space<hbm>>, %arg4: memref<1025xf32, #tpu.memory_space<hbm>>, %arg5: memref<1025x16xf32, #tpu.memory_space<hbm>>, %arg6: memref<100352xf32, #tpu.memory_space<hbm>>, %arg7: memref<2x1025x16xf32, #tpu.memory_space<hbm>>, %arg8: memref<3136xf32, #tpu.memory_space<vmem>>, %arg9: memref<3136xi32, #tpu.memory_space<vmem>>, %arg10: memref<3136xf32, #tpu.memory_space<vmem>>, %arg11: memref<3136x16xf32, #tpu.memory_space<vmem>>, %arg12: memref<1025xf32, #tpu.memory_space<vmem>>, %arg13: memref<1025x16xf32, #tpu.memory_space<vmem_shared>>) attributes {dimension_semantics = [#tpu.dimension_semantics<core_parallel>, #tpu.dimension_semantics<subcore_parallel>], iteration_bounds = array<i64: 2, 16>, scalar_prefetch = 0 : i64, scratch_operands = 6 : i64, tpu.core_type = #tpu.core_type<sc_vector_subcore>, window_params = [{transform_indices = #map}, {transform_indices = #map}, {transform_indices = #map}, {transform_indices = #map1}, {transform_indices = #map}, {transform_indices = #map2}]} {
    %mul3A = arith.constant 2 : i32
    %mul3A_0 = arith.muli %arg1, %mul3A : i32
    %add3A = arith.addi %mul3A_0, %arg0 : i32
    %mul3A_1 = arith.constant 3136 : i32
    %mul3A_2 = arith.muli %add3A, %mul3A_1 : i32
    "tpu.region"() ({
      %run_scoped3A = tpu.sem_alloc : memref<!tpu.dma_semaphore, #tpu.memory_space<semaphore_mem>>
      %dma_start3A = tpu.memref_slice %arg2[%mul3A_2] : memref<100352xf32, #tpu.memory_space<hbm>> -> memref<3136xf32, #tpu.memory_space<hbm>>
      %dma_start3A_23 = tpu.memref_slice %arg2[%mul3A_2] : memref<100352xf32, #tpu.memory_space<hbm>> -> memref<3136xf32, #tpu.memory_space<hbm>>
      tpu.enqueue_dma source(%dma_start3A_23 : memref<3136xf32, #tpu.memory_space<hbm>>) target(%arg8 : memref<3136xf32, #tpu.memory_space<vmem>>) target_semaphore(%run_scoped3A : memref<!tpu.dma_semaphore, #tpu.memory_space<semaphore_mem>>)
      %dma_wait3A = tpu.memref_slice %arg2[%mul3A_2] : memref<100352xf32, #tpu.memory_space<hbm>> -> memref<3136xf32, #tpu.memory_space<hbm>>
      %dma_wait3A_24 = tpu.memref_slice %arg2[%mul3A_2] : memref<100352xf32, #tpu.memory_space<hbm>> -> memref<3136xf32, #tpu.memory_space<hbm>>
      tpu.wait_dma2 semaphore(%run_scoped3A : memref<!tpu.dma_semaphore, #tpu.memory_space<semaphore_mem>>) src(%dma_wait3A_24 : memref<3136xf32, #tpu.memory_space<hbm>>) dst(%arg8 : memref<3136xf32, #tpu.memory_space<vmem>>)
      tpu.yield
    }) : () -> ()
    "tpu.region"() ({
      %run_scoped3A = tpu.sem_alloc : memref<!tpu.dma_semaphore, #tpu.memory_space<semaphore_mem>>
      %dma_start3A = tpu.memref_slice %arg3[%mul3A_2] : memref<100352xi32, #tpu.memory_space<hbm>> -> memref<3136xi32, #tpu.memory_space<hbm>>
      %dma_start3A_23 = tpu.memref_slice %arg3[%mul3A_2] : memref<100352xi32, #tpu.memory_space<hbm>> -> memref<3136xi32, #tpu.memory_space<hbm>>
      tpu.enqueue_dma source(%dma_start3A_23 : memref<3136xi32, #tpu.memory_space<hbm>>) target(%arg9 : memref<3136xi32, #tpu.memory_space<vmem>>) target_semaphore(%run_scoped3A : memref<!tpu.dma_semaphore, #tpu.memory_space<semaphore_mem>>)
      %dma_wait3A = tpu.memref_slice %arg3[%mul3A_2] : memref<100352xi32, #tpu.memory_space<hbm>> -> memref<3136xi32, #tpu.memory_space<hbm>>
      %dma_wait3A_24 = tpu.memref_slice %arg3[%mul3A_2] : memref<100352xi32, #tpu.memory_space<hbm>> -> memref<3136xi32, #tpu.memory_space<hbm>>
      tpu.wait_dma2 semaphore(%run_scoped3A : memref<!tpu.dma_semaphore, #tpu.memory_space<semaphore_mem>>) src(%dma_wait3A_24 : memref<3136xi32, #tpu.memory_space<hbm>>) dst(%arg9 : memref<3136xi32, #tpu.memory_space<vmem>>)
      tpu.yield
    }) : () -> ()
    "tpu.region"() ({
      %run_scoped3A = tpu.sem_alloc : memref<!tpu.dma_semaphore, #tpu.memory_space<semaphore_mem>>
      tpu.enqueue_dma source(%arg4 : memref<1025xf32, #tpu.memory_space<hbm>>) target(%arg12 : memref<1025xf32, #tpu.memory_space<vmem>>) target_semaphore(%run_scoped3A : memref<!tpu.dma_semaphore, #tpu.memory_space<semaphore_mem>>)
      tpu.wait_dma2 semaphore(%run_scoped3A : memref<!tpu.dma_semaphore, #tpu.memory_space<semaphore_mem>>) src(%arg4 : memref<1025xf32, #tpu.memory_space<hbm>>) dst(%arg12 : memref<1025xf32, #tpu.memory_space<vmem>>)
      tpu.yield
    }) : () -> ()
    %eq3A = arith.constant 0 : i32
    %eq3A_3 = arith.cmpi eq, %arg1, %eq3A : i32
    %convert_element_type3A = arith.extui %eq3A_3 : i1 to i32
    %cond3A = arith.constant 0 : i32
    %cond3A_4 = arith.cmpi ne, %convert_element_type3A, %cond3A : i32
    scf.if %cond3A_4 {
      "tpu.region"() ({
        %run_scoped3A = tpu.sem_alloc : memref<!tpu.dma_semaphore, #tpu.memory_space<semaphore_mem>>
        tpu.enqueue_dma source(%arg5 : memref<1025x16xf32, #tpu.memory_space<hbm>>) target(%arg13 : memref<1025x16xf32, #tpu.memory_space<vmem_shared>>) target_semaphore(%run_scoped3A : memref<!tpu.dma_semaphore, #tpu.memory_space<semaphore_mem>>)
        tpu.wait_dma2 semaphore(%run_scoped3A : memref<!tpu.dma_semaphore, #tpu.memory_space<semaphore_mem>>) src(%arg5 : memref<1025x16xf32, #tpu.memory_space<hbm>>) dst(%arg13 : memref<1025x16xf32, #tpu.memory_space<vmem_shared>>)
        tpu.yield
      }) : () -> ()
    } else {
    }
    %barrier3A = arith.constant 0 : index
    tpu.barrier barrier_id(%barrier3A)
    %broadcast_in_dim3A = arith.constant 0 : i32
    %broadcast_in_dim3A_5 = vector.broadcast %broadcast_in_dim3A : i32 to vector<16xi32>
    %iota3A = tpu.iota {dimensions = array<i32: 0>} : vector<16xi32>
    %scan3A = arith.constant 0 : i32
    %scan3A_6 = arith.constant 0 : i32
    %scan3A_7 = arith.constant 196 : i32
    %scan3A_8 = arith.addi %scan3A_6, %scan3A_7 : i32
    %scan3A_9 = arith.constant 1 : i32
    scf.for %scan3A_23 = %scan3A_6 to %scan3A_8 step %scan3A_9  : i32 {
      %mul3A_24 = arith.constant 16 : i32
      %mul3A_25 = arith.muli %scan3A_23, %mul3A_24 : i32
      %get3A = arith.index_cast %mul3A_25 : i32 to index
      %get3A_26 = tpu.vector_load %arg9[%get3A] {strides = array<i32>} : memref<3136xi32, #tpu.memory_space<vmem>>, vector<16xi32>,
      %get3A_27 = arith.index_cast %mul3A_25 : i32 to index
      %get3A_28 = tpu.vector_load %arg8[%get3A_27] {strides = array<i32>} : memref<3136xf32, #tpu.memory_space<vmem>>, vector<16xf32>,
      %gather3A = tpu.vector_load_idx %arg12[%get3A_26] : memref<1025xf32, #tpu.memory_space<vmem>>[vector<16xi32>], vector<16xf32>,
      %sub3A = arith.subf %get3A_28, %gather3A : vector<16xf32>
      %exp3A = math.exp %sub3A : vector<16xf32>
      %swap3A = arith.index_cast %mul3A_25 : i32 to index
      %swap3A_29 = tpu.vector_load %arg10[%swap3A] {strides = array<i32>} : memref<3136xf32, #tpu.memory_space<vmem>>, vector<16xf32>,
      tpu.vector_store %arg10[%swap3A], %exp3A {strides = array<i32>} : memref<3136xf32, #tpu.memory_space<vmem>>, vector<16xf32>,
      %add3A_30 = vector.broadcast %mul3A_25 : i32 to vector<16xi32>
      %add3A_31 = arith.addi %iota3A, %add3A_30 : vector<16xi32>
      tpu.vector_store_idx %arg11[%add3A_31, %broadcast_in_dim3A_5], %exp3A : memref<3136x16xf32, #tpu.memory_space<vmem>>[vector<16xi32>, vector<16xi32>], vector<16xf32>,
    }
    %scan3A_10 = arith.constant 196 : i32
    %scan3A_11 = arith.constant 0 : i32
    %scan3A_12 = arith.constant 0 : i32
    %scan3A_13 = arith.constant 28 : i32
    %scan3A_14 = arith.addi %scan3A_12, %scan3A_13 : i32
    %scan3A_15 = arith.constant 1 : i32
    scf.for %scan3A_23 = %scan3A_12 to %scan3A_14 step %scan3A_15  : i32 {
      %mul3A_24 = arith.constant 112 : i32
      %mul3A_25 = arith.muli %scan3A_23, %mul3A_24 : i32
      "tpu.region"() ({
        %run_scoped3A = tpu.sem_alloc : memref<!tpu.dma_semaphore, #tpu.memory_space<semaphore_mem>>
        %dma_start3A = arith.constant 0 : i32
        %dma_start3A_26 = tpu.memref_slice %arg11[%mul3A_25, %dma_start3A] : memref<3136x16xf32, #tpu.memory_space<vmem>> -> memref<112x16xf32, #tpu.memory_space<vmem>>
        %dma_start3A_27 = tpu.memref_slice %arg9[%mul3A_25] : memref<3136xi32, #tpu.memory_space<vmem>> -> memref<112xi32, #tpu.memory_space<vmem>>
        %dma_start3A_28 = arith.constant 0 : i32
        %dma_start3A_29 = arith.constant 0 : i32
        %dma_start3A_30 = tpu.memref_slice %arg13[%dma_start3A_28, %dma_start3A_29] : memref<1025x16xf32, #tpu.memory_space<vmem_shared>> -> memref<1025x16xf32, #tpu.memory_space<vmem_shared>>
        tpu.enqueue_indirect_dma source(%dma_start3A_26 : memref<112x16xf32, #tpu.memory_space<vmem>>) target(%dma_start3A_30 : memref<1025x16xf32, #tpu.memory_space<vmem_shared>>) offsets(%dma_start3A_27 : memref<112xi32, #tpu.memory_space<vmem>>) semaphore(%run_scoped3A : memref<!tpu.dma_semaphore, #tpu.memory_space<semaphore_mem>>) {add = true}
        %dma_wait3A = arith.constant 0 : i32
        %dma_wait3A_31 = tpu.memref_slice %arg11[%mul3A_25, %dma_wait3A] : memref<3136x16xf32, #tpu.memory_space<vmem>> -> memref<112x16xf32, #tpu.memory_space<vmem>>
        %dma_wait3A_32 = tpu.memref_slice %arg9[%mul3A_25] : memref<3136xi32, #tpu.memory_space<vmem>> -> memref<112xi32, #tpu.memory_space<vmem>>
        %dma_wait3A_33 = arith.constant 0 : i32
        %dma_wait3A_34 = arith.constant 0 : i32
        %dma_wait3A_35 = tpu.memref_slice %arg13[%dma_wait3A_33, %dma_wait3A_34] : memref<1025x16xf32, #tpu.memory_space<vmem_shared>> -> memref<1025x16xf32, #tpu.memory_space<vmem_shared>>
        tpu.wait_indirect_dma semaphore(%run_scoped3A : memref<!tpu.dma_semaphore, #tpu.memory_space<semaphore_mem>>) src(%dma_wait3A_31 : memref<112x16xf32, #tpu.memory_space<vmem>>) dst(%dma_wait3A_35 : memref<1025x16xf32, #tpu.memory_space<vmem_shared>>)
        tpu.yield
      }) : () -> ()
    }
    %scan3A_16 = arith.constant 28 : i32
    "tpu.region"() ({
      %run_scoped3A = tpu.sem_alloc : memref<!tpu.dma_semaphore, #tpu.memory_space<semaphore_mem>>
      %dma_start3A = tpu.memref_slice %arg6[%mul3A_2] : memref<100352xf32, #tpu.memory_space<hbm>> -> memref<3136xf32, #tpu.memory_space<hbm>>
      %dma_start3A_23 = tpu.memref_slice %arg6[%mul3A_2] : memref<100352xf32, #tpu.memory_space<hbm>> -> memref<3136xf32, #tpu.memory_space<hbm>>
      tpu.enqueue_dma source(%arg10 : memref<3136xf32, #tpu.memory_space<vmem>>) target(%dma_start3A_23 : memref<3136xf32, #tpu.memory_space<hbm>>) target_semaphore(%run_scoped3A : memref<!tpu.dma_semaphore, #tpu.memory_space<semaphore_mem>>)
      %dma_wait3A = tpu.memref_slice %arg6[%mul3A_2] : memref<100352xf32, #tpu.memory_space<hbm>> -> memref<3136xf32, #tpu.memory_space<hbm>>
      %dma_wait3A_24 = tpu.memref_slice %arg6[%mul3A_2] : memref<100352xf32, #tpu.memory_space<hbm>> -> memref<3136xf32, #tpu.memory_space<hbm>>
      tpu.wait_dma2 semaphore(%run_scoped3A : memref<!tpu.dma_semaphore, #tpu.memory_space<semaphore_mem>>) src(%arg10 : memref<3136xf32, #tpu.memory_space<vmem>>) dst(%dma_wait3A_24 : memref<3136xf32, #tpu.memory_space<hbm>>)
      tpu.yield
    }) : () -> ()
    %barrier3A_17 = arith.constant 0 : index
    tpu.barrier barrier_id(%barrier3A_17)
    %eq3A_18 = arith.constant 0 : i32
    %eq3A_19 = arith.cmpi eq, %arg1, %eq3A_18 : i32
    %convert_element_type3A_20 = arith.extui %eq3A_19 : i1 to i32
    %cond3A_21 = arith.constant 0 : i32
    %cond3A_22 = arith.cmpi ne, %convert_element_type3A_20, %cond3A_21 : i32
    scf.if %cond3A_22 {
      "tpu.region"() ({
        %run_scoped3A = tpu.sem_alloc : memref<!tpu.dma_semaphore, #tpu.memory_space<semaphore_mem>>
        %dma_start3A = arith.constant 0 : i32
        %dma_start3A_23 = arith.constant 0 : i32
        %dma_start3A_24 = tpu.memref_slice %arg7[%arg0, %dma_start3A, %dma_start3A_23] : memref<2x1025x16xf32, #tpu.memory_space<hbm>> -> memref<1x1025x16xf32, #tpu.memory_space<hbm>>
        %dma_start3A_25 = tpu.memref_squeeze %dma_start3A_24 : memref<1x1025x16xf32, #tpu.memory_space<hbm>> -> memref<1025x16xf32, #tpu.memory_space<hbm>>
        tpu.enqueue_dma source(%arg13 : memref<1025x16xf32, #tpu.memory_space<vmem_shared>>) target(%dma_start3A_25 : memref<1025x16xf32, #tpu.memory_space<hbm>>) target_semaphore(%run_scoped3A : memref<!tpu.dma_semaphore, #tpu.memory_space<semaphore_mem>>)
        %dma_wait3A = arith.constant 0 : i32
        %dma_wait3A_26 = arith.constant 0 : i32
        %dma_wait3A_27 = tpu.memref_slice %arg7[%arg0, %dma_wait3A, %dma_wait3A_26] : memref<2x1025x16xf32, #tpu.memory_space<hbm>> -> memref<1x1025x16xf32, #tpu.memory_space<hbm>>
        %dma_wait3A_28 = tpu.memref_squeeze %dma_wait3A_27 : memref<1x1025x16xf32, #tpu.memory_space<hbm>> -> memref<1025x16xf32, #tpu.memory_space<hbm>>
        tpu.wait_dma2 semaphore(%run_scoped3A : memref<!tpu.dma_semaphore, #tpu.memory_space<semaphore_mem>>) src(%arg13 : memref<1025x16xf32, #tpu.memory_space<vmem_shared>>) dst(%dma_wait3A_28 : memref<1025x16xf32, #tpu.memory_space<hbm>>)
        tpu.yield
      }) : () -> ()
    } else {
    }
    return
  }
}

module attributes {stable_mosaic.version = 14 : i64} {
  func.func @_gate_max_kernel(%arg0: i32, %arg1: memref<1024x128xf32, #tpu.memory_space<vmem>>, %arg2: memref<128x1xf32, #tpu.memory_space<vmem>>, %arg3: memref<1x1xf32, #tpu.memory_space<vmem>>, %arg4: memref<1x1x1024xi32, #tpu.memory_space<vmem>>, %arg5: memref<1x1x1024xf32, #tpu.memory_space<vmem>>, %arg6: memref<1024x1xf32, #tpu.memory_space<vmem>>) attributes {dimension_semantics = [#tpu.dimension_semantics<arbitrary>], iteration_bounds = array<i64: 98>, scalar_prefetch = 0 : i64, scratch_operands = 0 : i64, tpu.core_type = #tpu.core_type<tc>, window_params = [{transform_indices = @transform_0, window_bounds = array<i64: 1024, 128>}, {pipeline_mode = #tpu.pipeline_mode<synchronous>, transform_indices = @transform_1, window_bounds = array<i64: 128, 1>}, {pipeline_mode = #tpu.pipeline_mode<synchronous>, transform_indices = @transform_2, window_bounds = array<i64: 1, 1>}, {transform_indices = @transform_3, window_bounds = array<i64: 1, 1, 1024>}, {transform_indices = @transform_4, window_bounds = array<i64: 1, 1, 1024>}, {pipeline_mode = #tpu.pipeline_mode<synchronous>, transform_indices = @transform_5, window_bounds = array<i64: 1024, 1>}]} {
    %get3A = arith.constant 0 : index
    %get3A_0 = arith.constant 0 : index
    %get3A_1 = vector.load %arg1[%get3A, %get3A_0] : memref<1024x128xf32, #tpu.memory_space<vmem>>, vector<1024x128xf32>
    %get3A_2 = arith.constant 0 : index
    %get3A_3 = arith.constant 0 : index
    %get3A_4 = vector.load %arg2[%get3A_2, %get3A_3] : memref<128x1xf32, #tpu.memory_space<vmem>>, vector<128x1xf32>
    %dot_general3A = arith.constant dense<0.000000e+00> : vector<1024x1xf32>
    %dot_general3A_5 = tpu.matmul %get3A_1, %get3A_4, %dot_general3A {dimension_numbers = #tpu.dot_dimension_numbers<[1], [0], [0], [1], [0, 0, 1, 1], [], []>, transpose_lhs_hint = false} : vector<1024x128xf32>, vector<128x1xf32>, vector<1024x1xf32> -> vector<1024x1xf32>
    %get3A_6 = arith.constant 0 : index
    %get3A_7 = arith.constant 0 : index
    %get3A_8 = vector.load %arg3[%get3A_6, %get3A_7] : memref<1x1xf32, #tpu.memory_space<vmem>>, vector<1x1xf32>
    %get3A_9 = vector.extract %get3A_8[0, 0] : f32 from vector<1x1xf32>
    %add3A = vector.broadcast %get3A_9 : f32 to vector<1024x1xf32>
    %add3A_10 = arith.addf %dot_general3A_5, %add3A : vector<1024x1xf32>
    %reshape3A = vector.shape_cast %add3A_10 : vector<1024x1xf32> to vector<1x1024xf32>
    %swap3A = arith.constant 0 : index
    %swap3A_11 = arith.constant 0 : index
    %swap3A_12 = arith.constant 0 : index
    %swap3A_13 = vector.load %arg5[%swap3A, %swap3A_11, %swap3A_12] : memref<1x1x1024xf32, #tpu.memory_space<vmem>>, vector<1x1x1024xf32>
    %swap3A_14 = vector.shape_cast %swap3A_13 : vector<1x1x1024xf32> to vector<1x1024xf32>
    %swap3A_15 = vector.shape_cast %reshape3A : vector<1x1024xf32> to vector<1x1x1024xf32>
    tpu.vector_store %arg5[%swap3A, %swap3A_11, %swap3A_12], %swap3A_15 {strides = array<i32>} : memref<1x1x1024xf32, #tpu.memory_space<vmem>>, vector<1x1x1024xf32>,
    %iota3A = tpu.iota {dimensions = array<i32: 0>} : vector<1024x1024xi32>
    %get3A_16 = arith.constant 0 : index
    %get3A_17 = arith.constant 0 : index
    %get3A_18 = arith.constant 0 : index
    %get3A_19 = vector.load %arg4[%get3A_16, %get3A_17, %get3A_18] : memref<1x1x1024xi32, #tpu.memory_space<vmem>>, vector<1x1x1024xi32>
    %get3A_20 = vector.shape_cast %get3A_19 : vector<1x1x1024xi32> to vector<1x1024xi32>
    %eq3A = vector.broadcast %get3A_20 : vector<1x1024xi32> to vector<1024x1024xi32>
    %eq3A_21 = arith.cmpi eq, %eq3A, %iota3A : vector<1024x1024xi32>
    %jit3A = arith.constant 0xFF800000 : f32
    %broadcast_in_dim3A = vector.shape_cast %reshape3A : vector<1x1024xf32> to vector<1x1024xf32>
    %broadcast_in_dim3A_22 = vector.broadcast %broadcast_in_dim3A : vector<1x1024xf32> to vector<1024x1024xf32>
    %broadcast_in_dim3A_23 = vector.broadcast %jit3A : f32 to vector<1024x1024xf32>
    %select_n3A = arith.select %eq3A_21, %broadcast_in_dim3A_22, %broadcast_in_dim3A_23 : vector<1024x1024xi1>, vector<1024x1024xf32>
    %reduce_max3A = arith.constant dense<0xFF800000> : vector<1024xf32>
    %reduce_max3A_24 = vector.multi_reduction <maximumf>, %select_n3A, %reduce_max3A [1] : vector<1024x1024xf32> to vector<1024xf32>
    %broadcast_in_dim3A_25 = vector.shape_cast %reduce_max3A_24 : vector<1024xf32> to vector<1024x1xf32>
    %eq3A_26 = arith.constant 0 : i32
    %eq3A_27 = arith.cmpi eq, %arg0, %eq3A_26 : i32
    %convert_element_type3A = arith.extui %eq3A_27 : i1 to i32
    %cond3A = arith.constant 0 : i32
    %cond3A_28 = arith.cmpi ne, %convert_element_type3A, %cond3A : i32
    scf.if %cond3A_28 {
      %broadcast_in_dim3A_35 = arith.constant 0xFF800000 : f32
      %broadcast_in_dim3A_36 = vector.broadcast %broadcast_in_dim3A_35 : f32 to vector<1024x1xf32>
      %swap3A_37 = arith.constant 0 : index
      %swap3A_38 = arith.constant 0 : index
      %swap3A_39 = vector.load %arg6[%swap3A_37, %swap3A_38] : memref<1024x1xf32, #tpu.memory_space<vmem>>, vector<1024x1xf32>
      tpu.vector_store %arg6[%swap3A_37, %swap3A_38], %broadcast_in_dim3A_36 {strides = array<i32>} : memref<1024x1xf32, #tpu.memory_space<vmem>>, vector<1024x1xf32>,
    } else {
    }
    %get3A_29 = arith.constant 0 : index
    %get3A_30 = arith.constant 0 : index
    %get3A_31 = vector.load %arg6[%get3A_29, %get3A_30] : memref<1024x1xf32, #tpu.memory_space<vmem>>, vector<1024x1xf32>
    %max3A = arith.maximumf %get3A_31, %broadcast_in_dim3A_25 : vector<1024x1xf32>
    %swap3A_32 = arith.constant 0 : index
    %swap3A_33 = arith.constant 0 : index
    %swap3A_34 = vector.load %arg6[%swap3A_32, %swap3A_33] : memref<1024x1xf32, #tpu.memory_space<vmem>>, vector<1024x1xf32>
    tpu.vector_store %arg6[%swap3A_32, %swap3A_33], %max3A {strides = array<i32>} : memref<1024x1xf32, #tpu.memory_space<vmem>>, vector<1024x1xf32>,
    return
  }
  func.func @transform_0(%arg0: i32) -> (i32, i32) {
    %c0_i32 = arith.constant 0 : i32
    %c0_i32_0 = arith.constant 0 : i32
    return %arg0, %c0_i32 : i32, i32
  }
  func.func @transform_1(%arg0: i32) -> (i32, i32) {
    %c0_i32 = arith.constant 0 : i32
    %c0_i32_0 = arith.constant 0 : i32
    %c0_i32_1 = arith.constant 0 : i32
    return %c0_i32, %c0_i32_0 : i32, i32
  }
  func.func @transform_2(%arg0: i32) -> (i32, i32) {
    %c0_i32 = arith.constant 0 : i32
    %c0_i32_0 = arith.constant 0 : i32
    %c0_i32_1 = arith.constant 0 : i32
    return %c0_i32, %c0_i32_0 : i32, i32
  }
  func.func @transform_3(%arg0: i32) -> (i32, i32, i32) {
    %c0_i32 = arith.constant 0 : i32
    %c0_i32_0 = arith.constant 0 : i32
    %c0_i32_1 = arith.constant 0 : i32
    return %arg0, %c0_i32, %c0_i32_0 : i32, i32, i32
  }
  func.func @transform_4(%arg0: i32) -> (i32, i32, i32) {
    %c0_i32 = arith.constant 0 : i32
    %c0_i32_0 = arith.constant 0 : i32
    %c0_i32_1 = arith.constant 0 : i32
    return %arg0, %c0_i32, %c0_i32_0 : i32, i32, i32
  }
  func.func @transform_5(%arg0: i32) -> (i32, i32) {
    %c0_i32 = arith.constant 0 : i32
    %c0_i32_0 = arith.constant 0 : i32
    %c0_i32_1 = arith.constant 0 : i32
    return %c0_i32, %c0_i32_0 : i32, i32
  }
}

module attributes {stable_mosaic.version = 14 : i64} {
  func.func @_attn_out_kernel(%arg0: i32, %arg1: memref<1024x128xf32, #tpu.memory_space<vmem>>, %arg2: memref<1x1x1024xf32, #tpu.memory_space<vmem>>, %arg3: memref<1x1x1024xi32, #tpu.memory_space<vmem>>, %arg4: memref<1024x1xf32, #tpu.memory_space<vmem>>, %arg5: memref<1024x1xf32, #tpu.memory_space<vmem>>, %arg6: memref<1024x128xf32, #tpu.memory_space<vmem>>) attributes {dimension_semantics = [#tpu.dimension_semantics<arbitrary>], iteration_bounds = array<i64: 98>, scalar_prefetch = 0 : i64, scratch_operands = 0 : i64, tpu.core_type = #tpu.core_type<tc>, window_params = [{transform_indices = @transform_0, window_bounds = array<i64: 1024, 128>}, {transform_indices = @transform_1, window_bounds = array<i64: 1, 1, 1024>}, {transform_indices = @transform_2, window_bounds = array<i64: 1, 1, 1024>}, {pipeline_mode = #tpu.pipeline_mode<synchronous>, transform_indices = @transform_3, window_bounds = array<i64: 1024, 1>}, {transform_indices = @transform_4, window_bounds = array<i64: 1024, 1>}, {pipeline_mode = #tpu.pipeline_mode<synchronous>, transform_indices = @transform_5, window_bounds = array<i64: 1024, 128>}]} {
    %iota3A = tpu.iota {dimensions = array<i32: 0>} : vector<1024x1024xi32>
    %get3A = arith.constant 0 : index
    %get3A_0 = arith.constant 0 : index
    %get3A_1 = arith.constant 0 : index
    %get3A_2 = vector.load %arg3[%get3A, %get3A_0, %get3A_1] : memref<1x1x1024xi32, #tpu.memory_space<vmem>>, vector<1x1x1024xi32>
    %get3A_3 = vector.shape_cast %get3A_2 : vector<1x1x1024xi32> to vector<1x1024xi32>
    %eq3A = vector.broadcast %get3A_3 : vector<1x1024xi32> to vector<1024x1024xi32>
    %eq3A_4 = arith.cmpi eq, %eq3A, %iota3A : vector<1024x1024xi32>
    %get3A_5 = arith.constant 0 : index
    %get3A_6 = arith.constant 0 : index
    %get3A_7 = vector.load %arg4[%get3A_5, %get3A_6] : memref<1024x1xf32, #tpu.memory_space<vmem>>, vector<1024x1xf32>
    %jit3A = arith.constant 0.000000e+00 : f32
    %broadcast_in_dim3A = vector.shape_cast %get3A_7 : vector<1024x1xf32> to vector<1024x1xf32>
    %broadcast_in_dim3A_8 = vector.broadcast %broadcast_in_dim3A : vector<1024x1xf32> to vector<1024x1024xf32>
    %broadcast_in_dim3A_9 = vector.broadcast %jit3A : f32 to vector<1024x1024xf32>
    %select_n3A = arith.select %eq3A_4, %broadcast_in_dim3A_8, %broadcast_in_dim3A_9 : vector<1024x1024xi1>, vector<1024x1024xf32>
    %reduce_sum3A = arith.constant dense<0.000000e+00> : vector<1024xf32>
    %reduce_sum3A_10 = vector.multi_reduction <add>, %select_n3A, %reduce_sum3A [0] : vector<1024x1024xf32> to vector<1024xf32>
    %broadcast_in_dim3A_11 = vector.shape_cast %reduce_sum3A_10 : vector<1024xf32> to vector<1x1024xf32>
    %get3A_12 = arith.constant 0 : index
    %get3A_13 = arith.constant 0 : index
    %get3A_14 = arith.constant 0 : index
    %get3A_15 = vector.load %arg2[%get3A_12, %get3A_13, %get3A_14] : memref<1x1x1024xf32, #tpu.memory_space<vmem>>, vector<1x1x1024xf32>
    %get3A_16 = vector.shape_cast %get3A_15 : vector<1x1x1024xf32> to vector<1x1024xf32>
    %add3A = arith.constant 1.000000e-16 : f32
    %add3A_17 = vector.broadcast %add3A : f32 to vector<1x1024xf32>
    %add3A_18 = arith.addf %broadcast_in_dim3A_11, %add3A_17 : vector<1x1024xf32>
    %div3A = arith.divf %get3A_16, %add3A_18 : vector<1x1024xf32>
    %reshape3A = vector.shape_cast %div3A : vector<1x1024xf32> to vector<1024x1xf32>
    %swap3A = arith.constant 0 : index
    %swap3A_19 = arith.constant 0 : index
    %swap3A_20 = vector.load %arg5[%swap3A, %swap3A_19] : memref<1024x1xf32, #tpu.memory_space<vmem>>, vector<1024x1xf32>
    tpu.vector_store %arg5[%swap3A, %swap3A_19], %reshape3A {strides = array<i32>} : memref<1024x1xf32, #tpu.memory_space<vmem>>, vector<1024x1xf32>,
    %iota3A_21 = tpu.iota {dimensions = array<i32: 0>} : vector<1024x1xi32>
    %mul3A = arith.constant 1024 : i32
    %mul3A_22 = arith.muli %arg0, %mul3A : i32
    %add3A_23 = vector.broadcast %mul3A_22 : i32 to vector<1024x1xi32>
    %add3A_24 = arith.addi %iota3A_21, %add3A_23 : vector<1024x1xi32>
    %lt3A = arith.constant 100000 : i32
    %lt3A_25 = vector.broadcast %lt3A : i32 to vector<1024x1xi32>
    %lt3A_26 = arith.cmpi slt, %add3A_24, %lt3A_25 : vector<1024x1xi32>
    %get3A_27 = arith.constant 0 : index
    %get3A_28 = arith.constant 0 : index
    %get3A_29 = vector.load %arg1[%get3A_27, %get3A_28] : memref<1024x128xf32, #tpu.memory_space<vmem>>, vector<1024x128xf32>
    %max3A = arith.constant 0.000000e+00 : f32
    %max3A_30 = vector.broadcast %max3A : f32 to vector<1024x128xf32>
    %max3A_31 = arith.maximumf %get3A_29, %max3A_30 : vector<1024x128xf32>
    %mul3A_32 = vector.broadcast %reshape3A : vector<1024x1xf32> to vector<1024x128xf32>
    %mul3A_33 = arith.mulf %mul3A_32, %max3A_31 : vector<1024x128xf32>
    %jit3A_34 = arith.constant 0.000000e+00 : f32
    %broadcast_in_dim3A_35 = vector.shape_cast %lt3A_26 : vector<1024x1xi1> to vector<1024x1xi1>
    %broadcast_in_dim3A_36 = vector.broadcast %broadcast_in_dim3A_35 : vector<1024x1xi1> to vector<1024x128xi1>
    %broadcast_in_dim3A_37 = vector.broadcast %jit3A_34 : f32 to vector<1024x128xf32>
    %select_n3A_38 = arith.select %broadcast_in_dim3A_36, %mul3A_33, %broadcast_in_dim3A_37 : vector<1024x128xi1>, vector<1024x128xf32>
    %convert_element_type3A = arith.extui %eq3A_4 : vector<1024x1024xi1> to vector<1024x1024xi32>
    %convert_element_type3A_39 = arith.sitofp %convert_element_type3A : vector<1024x1024xi32> to vector<1024x1024xf32>
    %convert_element_type3A_40 = arith.truncf %convert_element_type3A_39 : vector<1024x1024xf32> to vector<1024x1024xbf16>
    %convert_element_type3A_41 = arith.truncf %select_n3A_38 : vector<1024x128xf32> to vector<1024x128xbf16>
    %dot_general3A = arith.constant dense<0.000000e+00> : vector<1024x128xf32>
    %dot_general3A_42 = tpu.matmul %convert_element_type3A_40, %convert_element_type3A_41, %dot_general3A {dimension_numbers = #tpu.dot_dimension_numbers<[1], [0], [0], [1], [0, 0, 1, 1], [], []>, transpose_lhs_hint = false} : vector<1024x1024xbf16>, vector<1024x128xbf16>, vector<1024x128xf32> -> vector<1024x128xf32>
    %eq3A_43 = arith.constant 0 : i32
    %eq3A_44 = arith.cmpi eq, %arg0, %eq3A_43 : i32
    %convert_element_type3A_45 = arith.extui %eq3A_44 : i1 to i32
    %cond3A = arith.constant 0 : i32
    %cond3A_46 = arith.cmpi ne, %convert_element_type3A_45, %cond3A : i32
    scf.if %cond3A_46 {
      %broadcast_in_dim3A_54 = arith.constant 0.000000e+00 : f32
      %broadcast_in_dim3A_55 = vector.broadcast %broadcast_in_dim3A_54 : f32 to vector<1024x128xf32>
      %swap3A_56 = arith.constant 0 : index
      %swap3A_57 = arith.constant 0 : index
      %swap3A_58 = vector.load %arg6[%swap3A_56, %swap3A_57] : memref<1024x128xf32, #tpu.memory_space<vmem>>, vector<1024x128xf32>
      tpu.vector_store %arg6[%swap3A_56, %swap3A_57], %broadcast_in_dim3A_55 {strides = array<i32>} : memref<1024x128xf32, #tpu.memory_space<vmem>>, vector<1024x128xf32>,
    } else {
    }
    %get3A_47 = arith.constant 0 : index
    %get3A_48 = arith.constant 0 : index
    %get3A_49 = vector.load %arg6[%get3A_47, %get3A_48] : memref<1024x128xf32, #tpu.memory_space<vmem>>, vector<1024x128xf32>
    %add3A_50 = arith.addf %get3A_49, %dot_general3A_42 : vector<1024x128xf32>
    %swap3A_51 = arith.constant 0 : index
    %swap3A_52 = arith.constant 0 : index
    %swap3A_53 = vector.load %arg6[%swap3A_51, %swap3A_52] : memref<1024x128xf32, #tpu.memory_space<vmem>>, vector<1024x128xf32>
    tpu.vector_store %arg6[%swap3A_51, %swap3A_52], %add3A_50 {strides = array<i32>} : memref<1024x128xf32, #tpu.memory_space<vmem>>, vector<1024x128xf32>,
    return
  }
  func.func @transform_0(%arg0: i32) -> (i32, i32) {
    %c0_i32 = arith.constant 0 : i32
    %c0_i32_0 = arith.constant 0 : i32
    return %arg0, %c0_i32 : i32, i32
  }
  func.func @transform_1(%arg0: i32) -> (i32, i32, i32) {
    %c0_i32 = arith.constant 0 : i32
    %c0_i32_0 = arith.constant 0 : i32
    %c0_i32_1 = arith.constant 0 : i32
    return %arg0, %c0_i32, %c0_i32_0 : i32, i32, i32
  }
  func.func @transform_2(%arg0: i32) -> (i32, i32, i32) {
    %c0_i32 = arith.constant 0 : i32
    %c0_i32_0 = arith.constant 0 : i32
    %c0_i32_1 = arith.constant 0 : i32
    return %arg0, %c0_i32, %c0_i32_0 : i32, i32, i32
  }
  func.func @transform_3(%arg0: i32) -> (i32, i32) {
    %c0_i32 = arith.constant 0 : i32
    %c0_i32_0 = arith.constant 0 : i32
    %c0_i32_1 = arith.constant 0 : i32
    return %c0_i32, %c0_i32_0 : i32, i32
  }
  func.func @transform_4(%arg0: i32) -> (i32, i32) {
    %c0_i32 = arith.constant 0 : i32
    %c0_i32_0 = arith.constant 0 : i32
    return %arg0, %c0_i32 : i32, i32
  }
  func.func @transform_5(%arg0: i32) -> (i32, i32) {
    %c0_i32 = arith.constant 0 : i32
    %c0_i32_0 = arith.constant 0 : i32
    %c0_i32_1 = arith.constant 0 : i32
    return %c0_i32, %c0_i32_0 : i32, i32
  }
}

</mosaic_0001>

<sc_bundles>
// kernel: kernel.5.cloned.1.call-start
scs
__scs_entry_jumppad:
0x0: {  	(pc) =	sbr.rel $0x88, $3  }
0x1: {  	(tag) =	ssettag $0x0;
	lr =	simm.s32 $0x1  }
0x2: {  	[smem:$0x3F9D] =	sst lr;
	_ =	strace $0xD0000000  }
0x3: {  	_ = 	snop  }
0x4: {  	_ = 	snop  }
0x5: {  	_ = 	snop  }
0x6: {  	_ = 	snop  }
0x7: {  	_ = 	snop  }
__scs_overlays_trampoline_lowered:
0x8: {  	[smem:$0x3FAC] =	sst s0  }
0x9: {  	[smem:$0x3FAD] =	sst s1  }
0xa: {  	[smem:$0x3FAE] =	sst s2  }
0xb: {  	[smem:$0x3FAF] =	sst s3  }
0xc: {  	[smem:$0x3FB0] =	sst s4  }
0xd: {  	[smem:$0x3FB1] =	sst s5  }
0xe: {  	[smem:$0x3FB2] =	sst s6  }
0xf: {  	[smem:$0x3FB3] =	sst s7  }
0x10: {  	[smem:$0x3FB4] =	sst s8  }
0x11: {  	[smem:$0x3FB5] =	sst s9;
	s0 =	simm.s32 @!p0 $0x0  }
0x12: {  	s1 =	sld [smem:$0x3F9B];
	s0 =	simm.s32 @p0 $0x1  }
0x13: {  	[smem:$0x3FB6] =	sst s0;
	s0 =	simm.s32 @!p1 $0x0  }
0x14: {  	s2 =	sld [smem:$0x3F9A];
	s0 =	simm.s32 @p1 $0x1  }
0x15: {  	[smem:$0x3FB7] =	sst s0;
	s0 =	simm.s32 @!p2 $0x0  }
0x16: {  	s3 =	sld [smem:$0x3FDB];
	s0 =	simm.s32 @p2 $0x1  }
0x17: {  	s4 =	simm.s32 $0x1BF5;
	[smem:$0x3FB9] =	sst s0  }
0x18: {  	s0 =	sld [smem:$0x3F9C];
	_ =	swait.ge [sflag:s4], $0x0  }
0x19: {  	s7 =	sld [smem:$0x3F9D]  }
0x1a: {  	s8 =	sadd.s32 $0xFFFFE003, lr  }
0x1b: {  	s9 =	sadd.s32 $0xFFFFFEF7, lr;
	s5 =	simm.s32 $0xFFFFFFFF;
	p2 =	slt.u32 s8, $0xFFFFF086  }
0x1c: {  	p1 =	slt.u32 s9, $0xF7A;
	s5 =	simm.s32 @!p2 $0x0  }
0x1d: {  	s5 =	simm.s32 @p1 $0x1;
	p0 =	seq.s32 s7, s2  }
0x1e: {  	s7 =	smul.u32 @!p0 $0xF7A, s2;
	p2 =	seq.s32 @!p0 s5, $0x0  }
0x1f: {  	s9 =	smul.u32 $0xF7A, s1;
	s8 =	simm.s32 @!p0 $0x1BF5;
	p2 =	por !p2, p0  }
0x20: {  	[sflag:s8] =	ssyncset.s32 @!p0 $0xFFFFF086;
	s6 =	sadd.s32 @!p0 s3, s7;
	s7 =	simm.s32 @!p0 $0x108  }
0x21: {  	s3 =	sadd.s32 s3, s9;
	s6 =	sadd.s32 @!p0 $0x88, s6;
	s7 =	simm.s32 @p2 $0x1082  }
0x22: {  	[simem:s7], [sflag:s8] =	dma.local @!p0 [hbm:s6], $0xF7A  }
0x23: {  	s9 =	sor.u32 $0xD0000000, s2;
	s6 =	simm.s32 $0x108;
	_ =	swait.ge @!p0 [sflag:s8], $0x0  }
0x24: {  	s3 =	sadd.s32 $0x88, s3;
	s6 =	simm.s32 @!p1 $0x1082;
	[sflag:s4] =	ssyncset.s32 $0xFFFFF086  }
0x25: {  	[simem:s6], [sflag:s4] =	dma.local [hbm:s3], $0xF7A  }
0x26: {  	[smem:$0x3F9D] =	sst s1;
	(tag) =	ssettag s2;
	_ =	strace s9  }
0x27: {  	s1 =	sld [smem:$0x3FAD]  }
0x28: {  	s2 =	sld [smem:$0x3FAE]  }
0x29: {  	s4 =	sld [smem:$0x3FB0]  }
0x2a: {  	p0 =	seq.s32 s5, $0x0;
	s5 =	sld [smem:$0x3FB1]  }
0x2b: {  	s6 =	sld [smem:$0x3FB2]  }
0x2c: {  	s7 =	sld [smem:$0x3FB3]  }
0x2d: {  	s3 =	simm.s32 $0x108;
	s8 =	sld [smem:$0x3FB4]  }
0x2e: {  	s3 =	simm.s32 @!p0 $0x1082;
	s9 =	sld [smem:$0x3FB5]  }
0x2f: {  	lr =	sadd.s32 s0, s3;
	s0 =	sld [smem:$0x3FAC]  }
0x30: {  	s3 =	sld [smem:$0x3FAF]  }
0x31: {  	[smem:$0x3FB8] =	sst s10  }
0x32: {  	s10 =	sld [smem:$0x3FB6];
	_ =	sdelay $0x3  }
0x33: {  	p0 =	seq.s32 s10, $0x1;
	s10 =	sld [smem:$0x3FB8];
	_ =	sdelay $0x3  }
0x34: {  	[smem:$0x3FB8] =	sst s10  }
0x35: {  	s10 =	sld [smem:$0x3FB7];
	_ =	sdelay $0x3  }
0x36: {  	p1 =	seq.s32 s10, $0x1;
	s10 =	sld [smem:$0x3FB8];
	_ =	sdelay $0x3  }
0x37: {  	[smem:$0x3FB8] =	sst s10  }
0x38: {  	s10 =	sld [smem:$0x3FB9]  }
0x39: {  	_ = 	snop;
	(pc) =	sbr.ind lr, $3  }
0x3a: {  	_ = 	snop  }
0x3b: {  	_ = 	snop  }
0x3c: {  	p2 =	seq.s32 s10, $0x1;
	s10 =	sld [smem:$0x3FB8]  }
0x3d: {  	_ =	shalt  }
0x3e: {  	_ =	shalt  }
0x3f: {  	_ =	shalt  }
0x40: {  	_ =	shalt  }
0x41: {  	_ =	shalt  }
0x42: {  	_ =	shalt  }
0x43: {  	_ =	shalt  }
0x44: {  	_ =	shalt  }
0x45: {  	_ =	shalt  }
0x46: {  	_ =	shalt  }
0x47: {  	_ =	shalt  }
0x48: {  	_ =	shalt  }
0x49: {  	_ =	shalt  }
0x4a: {  	_ =	shalt  }
0x4b: {  	_ =	shalt  }
0x4c: {  	_ =	shalt  }
0x4d: {  	_ =	shalt  }
0x4e: {  	_ =	shalt  }
0x4f: {  	_ =	shalt  }
0x50: {  	_ =	shalt  }
0x51: {  	_ =	shalt  }
0x52: {  	_ =	shalt  }
0x53: {  	_ =	shalt  }
0x54: {  	_ =	shalt  }
0x55: {  	_ =	shalt  }
0x56: {  	_ =	shalt  }
0x57: {  	_ =	shalt  }
0x58: {  	_ =	shalt  }
0x59: {  	_ =	shalt  }
0x5a: {  	_ =	shalt  }
0x5b: {  	_ =	shalt  }
0x5c: {  	_ =	shalt  }
0x5d: {  	_ =	shalt  }
0x5e: {  	_ =	shalt  }
0x5f: {  	_ =	shalt  }
0x60: {  	_ =	shalt  }
0x61: {  	_ =	shalt  }
0x62: {  	_ =	shalt  }
0x63: {  	_ =	shalt  }
0x64: {  	_ =	shalt  }
0x65: {  	_ =	shalt  }
0x66: {  	_ =	shalt  }
0x67: {  	_ =	shalt  }
0x68: {  	_ =	shalt  }
0x69: {  	_ =	shalt  }
0x6a: {  	_ =	shalt  }
0x6b: {  	_ =	shalt  }
0x6c: {  	_ =	shalt  }
0x6d: {  	_ =	shalt  }
0x6e: {  	_ =	shalt  }
0x6f: {  	_ =	shalt  }
0x70: {  	_ =	shalt  }
0x71: {  	_ =	shalt  }
0x72: {  	_ =	shalt  }
0x73: {  	_ =	shalt  }
0x74: {  	_ =	shalt  }
0x75: {  	_ =	shalt  }
0x76: {  	_ =	shalt  }
0x77: {  	_ =	shalt  }
0x78: {  	_ =	shalt  }
0x79: {  	_ =	shalt  }
0x7a: {  	_ =	shalt  }
0x7b: {  	_ =	shalt  }
0x7c: {  	_ =	shalt  }
0x7d: {  	_ =	shalt  }
0x7e: {  	_ =	shalt  }
0x7f: {  	_ =	shalt  }
0x80: {  	_ =	shalt  }
0x81: {  	_ =	shalt  }
0x82: {  	_ =	shalt  }
0x83: {  	_ =	shalt  }
0x84: {  	_ =	shalt  }
0x85: {  	_ =	shalt  }
0x86: {  	_ =	shalt  }
0x87: {  	_ =	shalt  }
.Lfunc_end0:
.L_simem_size_0:
called_computation_lowered:
.L_overlay_start_0:
0x88: {  	s2 =	sld [smem:$0x3FD9]  }
0x89: {  	s3 =	sld [smem:$0x3FFE];
	_ =	sdelay $0x1  }
0x8a: {  	s1 =	srdreg.scid  }
0x8b: {  	s0 =	sand.u32 $0x1, s1  }
0x8c: {  	s14 =	sshll.u32 s0, $0xA;
	s2 =	sadd.s32 s3, s2  }
0x8d: {  	s2 =	sadd.s32 s2, s14  }
0x8e: {  	[smem:$0x3FC4] =	sst s2  }
0x8f: {  	_ = 	snop  }
0x90: {  	s2 =	sld [smem:$0x3FD0];
	_ =	sdelay $0x2  }
0x91: {  	s15 =	simm.s32 $0xA;
	s4 =	simm.s32 $0x10  }
0x92: {  	[smem:s4], [sflag:s15] =	dma.local [hbm:s2], $0x1  }
0x93: {  	_ =	swait.eq [sflag:s15], $0x1  }
0x94: {  	[sflag:s15] =	ssyncset.done $0x0  }
0x95: {  	s16 =	sld [smem:$0x10];
	[sflag:s15] =	ssyncadd.s32 $0xFFFFFFFF  }
0x96: {  	s17 =	sld [smem:$0x11];
	(tm) =	ssettm $0x1  }
0x97: {  	s18 =	sld [smem:$0x3FFB];
	_ =	sdelay $0x3  }
0x98: {  	_ =	strace s18  }
0x99: {  	s4 =	sld [smem:$0x3FFC];
	_ =	sdelay $0x3  }
0x9a: {  	_ =	strace s4  }
0x9b: {  	s4 =	sld [smem:$0x3FFD];
	_ =	sdelay $0x3  }
0x9c: {  	_ =	strace s4  }
0x9d: {  	_ =	strace $0x8FFFFFFF  }
0x9e: {  	s19 =	sld [smem:$0x3FDB];
	_ =	sdelay $0x1  }
0x9f: {  	s5 =	simm.s32 $_scs_section_size  }
0xa0: {  	s6 =	simm.s32 $_size__tile_overlayer_lowered;
	s7 =	simm.s32 $_tile_overlayer_lowered  }
0xa1: {  	s22 =	simm.s32 $0x1BFF;
	s21 =	sshll.u32 s7, $0x1;
	s4 =	sadd.s32 s5, s19  }
0xa2: {  	s8 =	simm.s32 $0x0;
	s20 =	sshll.u32 s6, $0x1;
	s6 =	sadd.s32 s21, s4  }
0xa3: {  	[timem:s8], [sflag:s22] =	dma.local [hbm:s6], s20  }
0xa4: {  	_ =	swait.ge [sflag:s22], s20  }
0xa5: {  	s5 =	ssub.s32 $0x0, s20;
	[sflag:s22] =	ssyncset.done $0x0  }
0xa6: {  	[sflag:s22] =	ssyncadd.s32 s5;
	_ =	sdelay $0x1  }
0xa7: {  	s23 =	simm.s32 $0x1B8B  }
0xa8: {  	_ =	swait.ge [sflag:s23], $0x1  }
0xa9: {  	[sflag:s23] =	ssyncset.done $0x0  }
0xaa: {  	s25 =	simm.s32 $0x1B8E;
	s24 =	sld [smem:$0x3FFE];
	[sflag:s23] =	ssyncadd.s32 $0xFFFFFFFF  }
0xab: {  	s26 =	simm.s32 $execute0_lowered;
	[smem:$0x3FD2] =	sst s25  }
0xac: {  	s6 =	sshll.u32 s26, $0x1;
	_ =	strace $0x80000046;
	[dreg:$0x1] =	wrdreg $0xFFFFFFFF  }
0xad: {  	s28 =	simm.s32 $_size_execute0_lowered;
	s4 =	sadd.s32 s4, s6;
	[dreg:$0x0] =	wrdreg $0x0  }
0xae: {  	s6 =	sshll.u32 s28, $0x1;
	[dreg:$0x2] =	wrdreg s4  }
0xaf: {  	[dreg:$0x3] =	wrdreg s6  }
0xb0: {  	[dreg:$0x4] =	wrdreg $0xC0  }
0xb1: {  	_ =	task [dreg:s8], $0x5FFFF  }
0xb2: {  	[dreg:$0x1] =	wrdreg $0xFFFFFFFF  }
0xb3: {  	[dreg:$0x0] =	wrdreg $0x60  }
0xb4: {  	[dreg:$0x2] =	wrdreg s16  }
0xb5: {  	[dreg:$0x3] =	wrdreg s24  }
0xb6: {  	[dreg:$0x4] =	wrdreg s17  }
0xb7: {  	[dreg:$0x5] =	wrdreg $0xECC80  }
0xb8: {  	[dreg:$0x6] =	wrdreg $0x9  }
0xb9: {  	_ =	task.clear_ibuf [dreg:s8], $0x7FFFF;
	_ =	strace $0x90000046  }
0xba: {  	s29 =	simm.s32 $0x9;
	_ =	strace $0x80000048  }
0xbb: {  	_ =	swait.ge [sflag:s29], $0x1  }
0xbc: {  	[sflag:s29] =	ssyncadd.s32 $0xFFFFFFFF  }
0xbd: {  	_ =	strace $0x90000048  }
0xbe: {  	_ =	sfence  }
0xbf: {  	s30 =	sld [smem:$0x0];
	_ =	sdelay $0x2  }
0xc0: {  	s31 =	sshll.u32 s1, $0xD;
	s1 =	sshrl.u32 s1, $0x2  }
0xc1: {  	s3 =	sand.u32 $0x4000, s31;
	s1 =	sadd.s32 s1, s30  }
0xc2: {  	s0 =	sor.u32 s3, s0;
	s1 =	sshll.u32 s1, $0x11  }
0xc3: {  	s0 =	sor.u32 s1, s0  }
0xc4: {  	s0 =	sadd.s32 $0x8F2B, s0  }
0xc5: {  	[sflag:s0] =	ssyncadd.remote.s32 $0x1  }
0xc6: {  	_ =	sfence.sel $0xFFFF  }
0xc7: {  	[dreg:$0x0] =	wrdreg $0xFFFFFFFF;
	(pc) =	sbr.abs _section_cstart, $3  }
0xc8: {  	[dreg:$0x1] =	wrdreg $0xFFFFFFFF  }
0xc9: {  	_ =	task.clear_ibuf [dreg:s8], $0x2FFFF;
	_ =	strace $0x9FFFFFFF  }
0xca: {  	(tm) =	ssettm $0x7FFFFFFF  }
0xcb: {  	_ =	shalt  }
tec
execute0_lowered:
.L_overlay_start_1:
0x0: {  	(tag) =	ssettag $0x1  }
0x1: {  	s5 =	rddreg [dreg:$0x0]  }
0x2: {  	s6 =	rddreg [dreg:$0x1]  }
0x3: {  	s8 =	rddreg [dreg:$0x2]  }
0x4: {  	s1 =	rddreg [dreg:$0x3]  }
0x5: {  	s0 =	rddreg [dreg:$0x4];
	s2 =	simm.s32 $0x0;
	s3 =	srdreg.scid  }
0x6: {  	s10 =	stileid.u32;
	s14 =	simm.s32 $0x70;
	s15 =	simm.s32 $0x1880  }
0x7: {  	s16 =	simm.s32 $0x0;
	[smem:$0x7FF] =	sst s2;
	s7 =	sand.u32 $0x1, s3  }
0x8: {  	s30 =	sshll.u32 s10, $0x1;
	s3 =	sadd.s32 $0x4200, s6;
	p0 =	sne.s32 s10, $0x0  }
0x9: {  	s10 =	simm.s32 $0x1;
	_ =	strace $0x80000047;
	s11 =	ssub.s32 $0x2, s7  }
0xa: {  	s4 =	sor.u32 s7, s30;
	s13 =	smul.u32 $0x802, s7;
	s12 =	sshrl.u32 s11, $0x1  }
0xb: {  	s9 =	smul.u32 $0x188, s4;
	s4 =	sadd.s32 $0x4400, s6;
	s11 =	ssub.s32 s11, s12  }
0xc: {  	s8 =	sadd.s32 s8, s13;
	s12 =	simm.s32 $0xE8C0;
	s13 =	sshrl.u32 @!p0 s1, $0x3  }
0xd: {  	v0 =	vlaneseq.u32;
	s31 =	sadd.s32 s9, s6;
	s5 =	sadd.s32 s5, s9;
	s9 =	smax.u32 s11, $0x1  }
0xe: {  	v0 =	vmul.u32 $0x10, v0;
	s11 =	simm.s32 $0xC40;
	s6 =	sadd.s32 $0x1000, s31;
	s7 =	sadd.s32 $0x4E00, s31  }
.LBB2_1:
0xf: {  	[tilespmem:s2], [sflag:$0x1] =	stream.linear.gather [hbm4b:s5+s2], $0xC40, $0x38;
	[tilespmem:$0xF0D0] =	vst v63  }
0x10: {  	_ =	swait.ge [sflag:s10], $0xC40  }
0x11: {  	[sflag:s10] =	ssyncset.done $0x0  }
0x12: {  	[sflag:s10] =	ssyncadd.s32 $0xFFFFF3C0  }
0x13: {  	[tilespmem:s11], [sflag:$0x1] =	stream.linear.gather [hbm4b:s6+s2], $0xC40, $0x38;
	[tilespmem:$0xF0D0] =	vst v63  }
0x14: {  	_ =	swait.ge [sflag:s10], $0xC40  }
0x15: {  	[sflag:s10] =	ssyncset.done $0x0  }
0x16: {  	[sflag:s10] =	ssyncadd.s32 $0xFFFFF3C0  }
0x17: {  	[tilespmem:s12], [sflag:$0x1] =	stream.linear.gather [hbm4b:s3+s2], $0x408, $0x38;
	[tilespmem:$0xF0D0] =	vst v63  }
0x18: {  	_ =	swait.ge [sflag:s10], $0x408  }
0x19: {  	[sflag:s10] =	ssyncset.done $0x0  }
0x1a: {  	s17 =	simm.s32 @!p0 $0x1C01;
	[sflag:s10] =	ssyncadd.s32 $0xFFFFFBF8  }
0x1b: {  	[spmem:s13], [sflag:s17] =	dma.local @!p0 [hbm:s4], $0x802  }
0x1c: {  	s17 =	simm.s32 @!p0 $0x1  }
0x1d: {  	_ =	swait.ge @!p0 [sflag:s17], $0x802  }
0x1e: {  	[sflag:s17] =	ssyncset.done @!p0 $0x0  }
0x1f: {  	s18 =	simm.s32 $0x1880;
	s19 =	simm.s32 $0x0;
	[sflag:s17] =	ssyncadd.s32 @!p0 $0xFFFFF7FE  }
0x20: {  	s20 =	simm.s32 $0xC40;
	s21 =	simm.s32 $0x0;
	[bflag:$0x0] =	sbarrier.arrive $0xFFFF  }
.LBB2_2:
0x21: {  	v1 =	vld [tilespmem:s20+$0x0];
	_ =	sdelay $0x6  }
0x22: {  	v2 =	vld [tilespmem:s19+$0x0]  }
0x23: {  	v1 =	vld.idx.msk [tilespmem:v1+s12+$0x0], $0xffff;
	_ =	sdelay $0x4  }
0x24: {  	v1 =	vsub.f32 v2, v1;
	_ =	sdelay $0x1  }
0x25: {  	v1 =	vmul.f32 $1.442695020e+00, v1;
	_ =	sdelay $0x1  }
0x26: {  	(erf) = vpow2.f32 v1;
	_ =	sdelay $0x3  }
0x27: {  	v1 =	vmov s21  }
0x28: {  	v1 =	vshll.u32 v1, $0x4  }
0x29: {  	p1 =	sne.s32 s21, $0xC30;
	v1 =	vor.u32 v0, v1  }
.Ltmp0:
0x2a: {  	_ = 	snop;
	(pc) =	sbr.rel @p1 .LBB2_2-.Ltmp0, $4  }
0x2b: {  	_ = 	snop  }
0x2c: {  	v2 =	vpop (erf)  }
0x2d: {  	s17 =	simm.s32 $0x24C0;
	s20 =	sadd.s32 $0x10, s20;
	[tilespmem:s18+$0x0] =	vst v2  }
0x2e: {  	s19 =	sadd.s32 $0x10, s19;
	s21 =	sadd.s32 $0x10, s21;
	s18 =	sadd.s32 $0x10, s18;
	[tilespmem:v1+s17+$0x0] =	vst.idx.msk $0xffff, v2  }
0x2f: {  	s18 =	simm.s32 $0xC40  }
0x30: {  	[spmem:s1] =	stream.indirect.scatter.add.f32 [tilespmem:s17], [sflag:$0x1], $0x10, s18, s14, $0xb8;
	[tilespmem:$0xF0D0] =	vst v63  }
0x31: {  	s18 =	simm.s32 $0x1C0;
	_ =	swait.ge [sflag:s10], $0x700  }
.LBB2_4:
0x32: {  	s19 =	sshra.s32 s18, $0x2  }
0x33: {  	[sflag:s10] =	ssyncset.done $0x0;
	s17 =	sadd.s32 $0x700, s17;
	p1 =	sne.s32 s18, $0x2F40  }
.Ltmp1:
0x34: {  	s19 =	sadd.s32 $0xC40, s19;
	[sflag:s10] =	ssyncadd.s32 $0xFFFFF900;
	(pc) =	sbr.rel @p1 .LBB2_4-.Ltmp1, $3  }
0x35: {  	[spmem:s1] =	stream.indirect.scatter.add.f32 [tilespmem:s17], [sflag:$0x1], $0x10, s19, s14, $0xb8;
	[tilespmem:$0xF0D0] =	vst v63  }
0x36: {  	s18 =	sadd.s32 $0x1C0, s18;
	_ =	sdelay $0x1  }
0x37: {  	_ =	swait.ge [sflag:s10], $0x700  }
0x38: {  	[sflag:s10] =	ssyncset.done $0x0  }
0x39: {  	[sflag:s10] =	ssyncadd.s32 $0xFFFFF900  }
0x3a: {  	[hbm4b:s7+s2] =	stream.linear.scatter [tilespmem:s15], [sflag:$0x1], $0xC40, $0x38;
	[tilespmem:$0xF0D0] =	vst v63  }
0x3b: {  	_ =	swait.ge [sflag:s10], $0xC40  }
0x3c: {  	[sflag:s10] =	ssyncset.done $0x0  }
0x3d: {  	s16 =	sadd.s32 $0x1, s16;
	[sflag:s10] =	ssyncadd.s32 $0xFFFFF3C0  }
0x3e: {  	s17 =	simm.s32 @!p0 $0x1C01;
	p1 =	sne.s32 s16, s9;
	[bflag:$0x0] =	sbarrier.arrive $0xFFFF  }
0x3f: {  	[hbm:s8], [sflag:s17] =	dma.local @!p0 [spmem:s13], $0x802  }
.Ltmp2:
0x40: {  	_ = 	snop;
	(pc) =	sbr.rel @p1 .LBB2_1-.Ltmp2, $4  }
0x41: {  	s17 =	simm.s32 @!p0 $0x1  }
0x42: {  	_ =	swait.ge @!p0 [sflag:s17], $0x802  }
0x43: {  	[sflag:s17] =	ssyncset.done @!p0 $0x0  }
0x44: {  	[sflag:s17] =	ssyncadd.s32 @!p0 $0xFFFFF7FE  }
0x45: {  	_ =	sfence.sel $0x180000  }
0x46: {  	[bflag:$0x0] =	sbarrier.arrive $0xFFFF  }
0x47: {  	_ =	strace $0x90000047  }
0x48: {  	s0 =	sadd.s32 @!p0 $0x100000, s0;
	[bflag:$0x2] =	sbarrier.arrive $0xFFFF  }
0x49: {  	[sflag:s0] =	ssyncadd.tile.s32 @!p0 $0x1;
	_ =	shalt  }
.Lfunc_end2:
_tile_overlayer_lowered:
.L_overlay_start_2:
0x4a: {  	(tag) =	ssettag $0x2  }
0x4b: {  	s0 =	rddreg [dreg:$0x0];
	s2 =	stileid.u32  }
0x4c: {  	s1 =	rddreg [dreg:$0x1];
	p0 =	sne.s32 s2, $0x0  }
0x4d: {  	s3 =	rddreg [dreg:$0x2];
	[bflag:$0x3] =	sbarrier.arrive $0xFFFF;
	s2 =	simm.s32 @!p0 $0x1C01  }
0x4e: {  	[timem:s3], [sflag:s2] =	dma.local @!p0 [hbm:s0], s1  }
0x4f: {  	s0 =	simm.s32 @!p0 $0x1  }
0x50: {  	_ =	swait.ge @!p0 [sflag:s0], s1  }
0x51: {  	s1 =	ssub.s32 @!p0 $0x0, s1;
	[sflag:s0] =	ssyncset.done @!p0 $0x0  }
0x52: {  	[sflag:s0] =	ssyncadd.s32 @!p0 s1  }
0x53: {  	[bflag:$0x3] =	sbarrier.arrive $0xFFFF  }
0x54: {  	_ =	shalt  }

</sc_bundles>
